<compile_context>
chip_gen: v7x
topology: tpu7x:2x2x1
jax: 0.10.2.dev20260603
libtpu: 0.0.44.dev20260713+nightly
codegen_flags: <defaults>
</compile_context>

<pallas_src>
import jax
import jax.numpy as jnp
from jax import lax
from jax.experimental import pallas as pl
from jax.experimental.pallas import tpu as pltpu
from jax.experimental.pallas import tpu_sc as plsc

_VOCAB = 1000
_EMBED = 64
_BATCH = 16384

_NC = 2
_NS = 16
_NW = _NC * _NS
_BPW = _BATCH // _NW
_RING = 8
_L = 16


def _gather_body(idx0_hbm, idx1_hbm, table_hbm, out_hbm,
                 i0_v, i1_v, piece_v, rows2_v, sem, sem2):
    wid = lax.axis_index("s") * _NC + lax.axis_index("c")
    base = wid * _BPW
    pltpu.sync_copy(idx0_hbm.at[pl.ds(base, _BPW)], i0_v.at[pl.ds(0, _BPW)])
    pltpu.sync_copy(idx1_hbm.at[pl.ds(base, _BPW)], i1_v.at[pl.ds(0, _BPW)])

    lane = lax.iota(jnp.int32, _L)

    def fire(b):
        i0 = i0_v[pl.ds(b, _L)][0]
        i1 = i1_v[pl.ds(b, _L)][0]
        ct = pl.multiple_of(lax.shift_right_logical(i1, 7) * 128, 128)
        pltpu.make_async_copy(
            table_hbm.at[i0, :, pl.ds(ct, 128)],
            piece_v.at[b & (_RING - 1)], sem,
        ).start()

    def wait_slot(b):
        pltpu.make_async_copy(
            table_hbm.at[0, :, pl.ds(pl.multiple_of(b * 0, 128), 128)],
            piece_v.at[b & (_RING - 1)], sem,
        ).wait()

    def out_desc(grp, half):
        return pltpu.make_async_copy(
            rows2_v.at[half], out_hbm.at[pl.ds(base + grp * 64, 64)], sem2
        )

    def extract(b):
        slot = (b & (_RING - 1)) + lane * 0
        cl = (i1_v[pl.ds(b, _L)] & 127)[0] + lane * 0
        half = lax.shift_right_logical(b, 6) & 1
        row = b & 63
        for k in range(_EMBED // _L):
            val = plsc.load_gather(piece_v, [slot, lane + k * _L, cl])
            rows2_v[half, row, pl.ds(k * _L, _L)] = val

    def step(b, carry):
        @pl.when(b >= _RING)
        def _drain():
            e = b - _RING
            @pl.when((e >= 128) & ((e & 63) == 0))
            def _wait_half():
                g_old = lax.shift_right_logical(e, 6) - 2
                out_desc(g_old, lax.shift_right_logical(e, 6) & 1).wait()

            wait_slot(e)
            extract(e)

            @pl.when((e & 63) == 63)
            def _flush():
                g = lax.shift_right_logical(e, 6)
                out_desc(g, g & 1).start()

        @pl.when(b < _BPW)
        def _fire():
            fire(b)

        return carry

    lax.fori_loop(0, _BPW + _RING, step, 0)
    ngrp = _BPW // 64

    def drain_out(g, carry):
        out_desc(g, g & 1).wait()
        return carry

    lax.fori_loop(ngrp - 2, ngrp, drain_out, 0)


@jax.jit
def kernel(idx0, idx1, lookup):
    table_t = jnp.transpose(lookup, (0, 2, 1))
    run = pl.kernel(
        _gather_body,
        out_type=jax.ShapeDtypeStruct((_BATCH, _EMBED), jnp.float32),
        mesh=plsc.VectorSubcoreMesh(core_axis_name="c", subcore_axis_name="s"),
        compiler_params=pltpu.CompilerParams(
            use_tc_tiling_on_sc=True, needs_layout_passes=False),
        scratch_types=[
            pltpu.VMEM((_BPW + _L,), jnp.int32),
            pltpu.VMEM((_BPW + _L,), jnp.int32),
            pltpu.VMEM((_RING, _EMBED, 128), jnp.float32),
            pltpu.VMEM((2, 64, _EMBED), jnp.float32),
            pltpu.SemaphoreType.DMA,
            pltpu.SemaphoreType.DMA,
        ],
    )
    return run(idx0, idx1, table_t)

# --- scband reference (transcript-rebuilt; emitter-appended) ---
"""Pipeline reference for scband-interaction-layer-33200097198577 (READ-ONLY COPY).

The authoritative reference and input builder live on the scoring server;
editing this copy changes nothing except your own understanding.
"""

import jax, jax.numpy as jnp
import numpy as np

VOCAB = 1000
EMBED = 64
BATCH = 16384

def setup_inputs(seed: int = 0) -> dict:
    key = jax.random.key(seed)
    k1, k2, k3 = jax.random.split(key, 3)
    idx0 = jax.random.randint(k1, (BATCH,), 0, VOCAB, dtype=jnp.int64 if jax.config.jax_enable_x64 else jnp.int32).astype(jnp.int32)
    idx1 = jax.random.randint(k2, (BATCH,), 0, VOCAB, dtype=jnp.int64 if jax.config.jax_enable_x64 else jnp.int32).astype(jnp.int32)
    lookup = jax.random.normal(k3, (VOCAB, VOCAB, EMBED), dtype=jnp.float32)
    return {"idx0": idx0, "idx1": idx1, "lookup": lookup}

def reference(idx0, idx1, lookup):
    # Faithful to tf.gather_nd(self.lookup, tf.stack(inputs, axis=-1)):
    # stack the per-field index vectors along the last axis -> [B, 2],
    # then gather_nd over the leading 2 dims of the 3-D lookup table.
    indx = jnp.stack([idx0, idx1], axis=-1)  # [B, 2]
    return lookup[indx[..., 0], indx[..., 1]]  # [B, EMBED]

if __name__ == "__main__":
    import jax
    _d = setup_inputs()
    print(jax.jit(kernel)(*tuple(_d.values())))

</pallas_src>

<mosaic_0001>
#map = affine_map<(d0, d1) -> (0)>
#map1 = affine_map<(d0, d1) -> (0, 0, 0)>
#map2 = affine_map<(d0, d1) -> (0, 0)>
module attributes {stable_mosaic.version = 14 : i64} {
  func.func @_gather_body(%arg0: i32, %arg1: i32, %arg2: memref<16384xi32, #tpu.memory_space<hbm>>, %arg3: memref<16384xi32, #tpu.memory_space<hbm>>, %arg4: memref<1000x64x1000xf32, #tpu.memory_space<hbm>>, %arg5: memref<16384x64xf32, #tpu.memory_space<hbm>>, %arg6: memref<528xi32, #tpu.memory_space<vmem>>, %arg7: memref<528xi32, #tpu.memory_space<vmem>>, %arg8: memref<8x64x128xf32, #tpu.memory_space<vmem>>, %arg9: memref<2x64x64xf32, #tpu.memory_space<vmem>>, %arg10: memref<!tpu.dma_semaphore, #tpu.memory_space<semaphore_mem>>, %arg11: memref<!tpu.dma_semaphore, #tpu.memory_space<semaphore_mem>>) attributes {dimension_semantics = [#tpu.dimension_semantics<core_parallel>, #tpu.dimension_semantics<subcore_parallel>], iteration_bounds = array<i64: 2, 16>, scalar_prefetch = 0 : i64, scratch_operands = 6 : i64, tpu.core_type = #tpu.core_type<sc_vector_subcore>, window_params = [{transform_indices = #map}, {transform_indices = #map}, {transform_indices = #map1}, {transform_indices = #map2}]} {
    %mul3A = arith.constant 2 : i32
    %mul3A_0 = arith.muli %arg1, %mul3A : i32
    %add3A = arith.addi %mul3A_0, %arg0 : i32
    %mul3A_1 = arith.constant 512 : i32
    %mul3A_2 = arith.muli %add3A, %mul3A_1 : i32
    "tpu.region"() ({
      %run_scoped3A = tpu.sem_alloc : memref<!tpu.dma_semaphore, #tpu.memory_space<semaphore_mem>>
      %dma_start3A = arith.constant 0 : i32
      %dma_start3A_14 = tpu.memref_slice %arg6[%dma_start3A] : memref<528xi32, #tpu.memory_space<vmem>> -> memref<512xi32, #tpu.memory_space<vmem>>
      %dma_start3A_15 = tpu.memref_slice %arg2[%mul3A_2] : memref<16384xi32, #tpu.memory_space<hbm>> -> memref<512xi32, #tpu.memory_space<hbm>>
      %dma_start3A_16 = arith.constant 0 : i32
      %dma_start3A_17 = tpu.memref_slice %arg6[%dma_start3A_16] : memref<528xi32, #tpu.memory_space<vmem>> -> memref<512xi32, #tpu.memory_space<vmem>>
      %dma_start3A_18 = tpu.memref_slice %arg2[%mul3A_2] : memref<16384xi32, #tpu.memory_space<hbm>> -> memref<512xi32, #tpu.memory_space<hbm>>
      tpu.enqueue_dma source(%dma_start3A_18 : memref<512xi32, #tpu.memory_space<hbm>>) target(%dma_start3A_17 : memref<512xi32, #tpu.memory_space<vmem>>) target_semaphore(%run_scoped3A : memref<!tpu.dma_semaphore, #tpu.memory_space<semaphore_mem>>)
      %dma_wait3A = arith.constant 0 : i32
      %dma_wait3A_19 = tpu.memref_slice %arg6[%dma_wait3A] : memref<528xi32, #tpu.memory_space<vmem>> -> memref<512xi32, #tpu.memory_space<vmem>>
      %dma_wait3A_20 = tpu.memref_slice %arg2[%mul3A_2] : memref<16384xi32, #tpu.memory_space<hbm>> -> memref<512xi32, #tpu.memory_space<hbm>>
      %dma_wait3A_21 = arith.constant 0 : i32
      %dma_wait3A_22 = tpu.memref_slice %arg6[%dma_wait3A_21] : memref<528xi32, #tpu.memory_space<vmem>> -> memref<512xi32, #tpu.memory_space<vmem>>
      %dma_wait3A_23 = tpu.memref_slice %arg2[%mul3A_2] : memref<16384xi32, #tpu.memory_space<hbm>> -> memref<512xi32, #tpu.memory_space<hbm>>
      tpu.wait_dma2 semaphore(%run_scoped3A : memref<!tpu.dma_semaphore, #tpu.memory_space<semaphore_mem>>) src(%dma_wait3A_23 : memref<512xi32, #tpu.memory_space<hbm>>) dst(%dma_wait3A_22 : memref<512xi32, #tpu.memory_space<vmem>>)
      tpu.yield
    }) : () -> ()
    "tpu.region"() ({
      %run_scoped3A = tpu.sem_alloc : memref<!tpu.dma_semaphore, #tpu.memory_space<semaphore_mem>>
      %dma_start3A = arith.constant 0 : i32
      %dma_start3A_14 = tpu.memref_slice %arg7[%dma_start3A] : memref<528xi32, #tpu.memory_space<vmem>> -> memref<512xi32, #tpu.memory_space<vmem>>
      %dma_start3A_15 = tpu.memref_slice %arg3[%mul3A_2] : memref<16384xi32, #tpu.memory_space<hbm>> -> memref<512xi32, #tpu.memory_space<hbm>>
      %dma_start3A_16 = arith.constant 0 : i32
      %dma_start3A_17 = tpu.memref_slice %arg7[%dma_start3A_16] : memref<528xi32, #tpu.memory_space<vmem>> -> memref<512xi32, #tpu.memory_space<vmem>>
      %dma_start3A_18 = tpu.memref_slice %arg3[%mul3A_2] : memref<16384xi32, #tpu.memory_space<hbm>> -> memref<512xi32, #tpu.memory_space<hbm>>
      tpu.enqueue_dma source(%dma_start3A_18 : memref<512xi32, #tpu.memory_space<hbm>>) target(%dma_start3A_17 : memref<512xi32, #tpu.memory_space<vmem>>) target_semaphore(%run_scoped3A : memref<!tpu.dma_semaphore, #tpu.memory_space<semaphore_mem>>)
      %dma_wait3A = arith.constant 0 : i32
      %dma_wait3A_19 = tpu.memref_slice %arg7[%dma_wait3A] : memref<528xi32, #tpu.memory_space<vmem>> -> memref<512xi32, #tpu.memory_space<vmem>>
      %dma_wait3A_20 = tpu.memref_slice %arg3[%mul3A_2] : memref<16384xi32, #tpu.memory_space<hbm>> -> memref<512xi32, #tpu.memory_space<hbm>>
      %dma_wait3A_21 = arith.constant 0 : i32
      %dma_wait3A_22 = tpu.memref_slice %arg7[%dma_wait3A_21] : memref<528xi32, #tpu.memory_space<vmem>> -> memref<512xi32, #tpu.memory_space<vmem>>
      %dma_wait3A_23 = tpu.memref_slice %arg3[%mul3A_2] : memref<16384xi32, #tpu.memory_space<hbm>> -> memref<512xi32, #tpu.memory_space<hbm>>
      tpu.wait_dma2 semaphore(%run_scoped3A : memref<!tpu.dma_semaphore, #tpu.memory_space<semaphore_mem>>) src(%dma_wait3A_23 : memref<512xi32, #tpu.memory_space<hbm>>) dst(%dma_wait3A_22 : memref<512xi32, #tpu.memory_space<vmem>>)
      tpu.yield
    }) : () -> ()
    %iota3A = tpu.iota {dimensions = array<i32: 0>} : vector<16xi32>
    %scan3A = arith.constant 0 : i32
    %scan3A_3 = arith.constant 0 : i32
    %scan3A_4 = arith.constant 520 : i32
    %scan3A_5 = arith.addi %scan3A_3, %scan3A_4 : i32
    %scan3A_6 = arith.constant 1 : i32
    scf.for %scan3A_14 = %scan3A_3 to %scan3A_5 step %scan3A_6  : i32 {
      %ge3A = arith.constant 8 : i32
      %ge3A_15 = arith.cmpi sge, %scan3A_14, %ge3A : i32
      %convert_element_type3A = arith.extui %ge3A_15 : i1 to i32
      %cond3A = arith.constant 0 : i32
      %cond3A_16 = arith.cmpi ne, %convert_element_type3A, %cond3A : i32
      scf.if %cond3A_16 {
        %sub3A = arith.constant 8 : i32
        %sub3A_21 = arith.subi %scan3A_14, %sub3A : i32
        %ge3A_22 = arith.constant 128 : i32
        %ge3A_23 = arith.cmpi sge, %sub3A_21, %ge3A_22 : i32
        %and3A = arith.constant 63 : i32
        %and3A_24 = arith.andi %sub3A_21, %and3A : i32
        %eq3A = arith.constant 0 : i32
        %eq3A_25 = arith.cmpi eq, %and3A_24, %eq3A : i32
        %and3A_26 = arith.andi %ge3A_23, %eq3A_25 : i1
        %convert_element_type3A_27 = arith.extui %and3A_26 : i1 to i32
        %cond3A_28 = arith.constant 0 : i32
        %cond3A_29 = arith.cmpi ne, %convert_element_type3A_27, %cond3A_28 : i32
        scf.if %cond3A_29 {
          %shift_right_logical3A_106 = arith.constant 6 : i32
          %shift_right_logical3A_107 = arith.shrui %sub3A_21, %shift_right_logical3A_106 : i32
          %sub3A_108 = arith.constant 2 : i32
          %sub3A_109 = arith.subi %shift_right_logical3A_107, %sub3A_108 : i32
          %shift_right_logical3A_110 = arith.constant 6 : i32
          %shift_right_logical3A_111 = arith.shrui %sub3A_21, %shift_right_logical3A_110 : i32
          %and3A_112 = arith.constant 1 : i32
          %and3A_113 = arith.andi %shift_right_logical3A_111, %and3A_112 : i32
          %mul3A_114 = arith.constant 64 : i32
          %mul3A_115 = arith.muli %sub3A_109, %mul3A_114 : i32
          %add3A_116 = arith.addi %mul3A_2, %mul3A_115 : i32
          %dma_wait3A_117 = arith.constant 0 : i32
          %dma_wait3A_118 = arith.constant 0 : i32
          %dma_wait3A_119 = tpu.memref_slice %arg9[%and3A_113, %dma_wait3A_117, %dma_wait3A_118] : memref<2x64x64xf32, #tpu.memory_space<vmem>> -> memref<1x64x64xf32, #tpu.memory_space<vmem>>
          %dma_wait3A_120 = tpu.memref_squeeze %dma_wait3A_119 : memref<1x64x64xf32, #tpu.memory_space<vmem>> -> memref<64x64xf32, #tpu.memory_space<vmem>>
          %dma_wait3A_121 = arith.constant 0 : i32
          %dma_wait3A_122 = tpu.memref_slice %arg5[%add3A_116, %dma_wait3A_121] : memref<16384x64xf32, #tpu.memory_space<hbm>> -> memref<64x64xf32, #tpu.memory_space<hbm>>
          %dma_wait3A_123 = arith.constant 0 : i32
          %dma_wait3A_124 = tpu.memref_slice %arg5[%add3A_116, %dma_wait3A_123] : memref<16384x64xf32, #tpu.memory_space<hbm>> -> memref<64x64xf32, #tpu.memory_space<hbm>>
          %dma_wait3A_125 = arith.constant 0 : i32
          %dma_wait3A_126 = arith.constant 0 : i32
          %dma_wait3A_127 = tpu.memref_slice %arg9[%and3A_113, %dma_wait3A_125, %dma_wait3A_126] : memref<2x64x64xf32, #tpu.memory_space<vmem>> -> memref<1x64x64xf32, #tpu.memory_space<vmem>>
          %dma_wait3A_128 = tpu.memref_squeeze %dma_wait3A_127 : memref<1x64x64xf32, #tpu.memory_space<vmem>> -> memref<64x64xf32, #tpu.memory_space<vmem>>
          tpu.wait_dma2 semaphore(%arg11 : memref<!tpu.dma_semaphore, #tpu.memory_space<semaphore_mem>>) src(%dma_wait3A_128 : memref<64x64xf32, #tpu.memory_space<vmem>>) dst(%dma_wait3A_124 : memref<64x64xf32, #tpu.memory_space<hbm>>)
        } else {
        }
        %mul3A_30 = arith.constant 0 : i32
        %mul3A_31 = arith.muli %sub3A_21, %mul3A_30 : i32
        %multiple_of3A = tpu.assume_multiple %mul3A_31, 128 : i32
        %and3A_32 = arith.constant 7 : i32
        %and3A_33 = arith.andi %sub3A_21, %and3A_32 : i32
        %dma_wait3A = arith.constant 0 : i32
        %dma_wait3A_34 = arith.constant 0 : i32
        %dma_wait3A_35 = arith.constant 0 : i32
        %dma_wait3A_36 = tpu.memref_slice %arg8[%and3A_33, %dma_wait3A_34, %dma_wait3A_35] : memref<8x64x128xf32, #tpu.memory_space<vmem>> -> memref<1x64x128xf32, #tpu.memory_space<vmem>>
        %dma_wait3A_37 = tpu.memref_squeeze %dma_wait3A_36 : memref<1x64x128xf32, #tpu.memory_space<vmem>> -> memref<64x128xf32, #tpu.memory_space<vmem>>
        %dma_wait3A_38 = arith.constant 0 : i32
        %dma_wait3A_39 = tpu.memref_slice %arg4[%dma_wait3A, %dma_wait3A_38, %multiple_of3A] : memref<1000x64x1000xf32, #tpu.memory_space<hbm>> -> memref<1x64x128xf32, #tpu.memory_space<hbm>>
        %dma_wait3A_40 = tpu.memref_squeeze %dma_wait3A_39 : memref<1x64x128xf32, #tpu.memory_space<hbm>> -> memref<64x128xf32, #tpu.memory_space<hbm>>
        %dma_wait3A_41 = arith.constant 0 : i32
        %dma_wait3A_42 = arith.constant 0 : i32
        %dma_wait3A_43 = tpu.memref_slice %arg8[%and3A_33, %dma_wait3A_41, %dma_wait3A_42] : memref<8x64x128xf32, #tpu.memory_space<vmem>> -> memref<1x64x128xf32, #tpu.memory_space<vmem>>
        %dma_wait3A_44 = tpu.memref_squeeze %dma_wait3A_43 : memref<1x64x128xf32, #tpu.memory_space<vmem>> -> memref<64x128xf32, #tpu.memory_space<vmem>>
        %dma_wait3A_45 = arith.constant 0 : i32
        %dma_wait3A_46 = tpu.memref_slice %arg4[%dma_wait3A, %dma_wait3A_45, %multiple_of3A] : memref<1000x64x1000xf32, #tpu.memory_space<hbm>> -> memref<1x64x128xf32, #tpu.memory_space<hbm>>
        %dma_wait3A_47 = tpu.memref_squeeze %dma_wait3A_46 : memref<1x64x128xf32, #tpu.memory_space<hbm>> -> memref<64x128xf32, #tpu.memory_space<hbm>>
        tpu.wait_dma2 semaphore(%arg10 : memref<!tpu.dma_semaphore, #tpu.memory_space<semaphore_mem>>) src(%dma_wait3A_47 : memref<64x128xf32, #tpu.memory_space<hbm>>) dst(%dma_wait3A_44 : memref<64x128xf32, #tpu.memory_space<vmem>>)
        %and3A_48 = arith.constant 7 : i32
        %and3A_49 = arith.andi %sub3A_21, %and3A_48 : i32
        %mul3A_50 = arith.constant 0 : i32
        %mul3A_51 = vector.broadcast %mul3A_50 : i32 to vector<16xi32>
        %mul3A_52 = arith.muli %iota3A, %mul3A_51 : vector<16xi32>
        %add3A_53 = vector.broadcast %and3A_49 : i32 to vector<16xi32>
        %add3A_54 = arith.addi %add3A_53, %mul3A_52 : vector<16xi32>
        %get3A = arith.index_cast %sub3A_21 : i32 to index
        %get3A_55 = tpu.vector_load %arg7[%get3A] {strides = array<i32>} : memref<528xi32, #tpu.memory_space<vmem>>, vector<16xi32>,
        %and3A_56 = arith.constant 127 : i32
        %and3A_57 = vector.broadcast %and3A_56 : i32 to vector<16xi32>
        %and3A_58 = arith.andi %get3A_55, %and3A_57 : vector<16xi32>
        %slice3A = vector.extract_strided_slice %and3A_58 {offsets = [0], sizes = [1], strides = [1]} : vector<16xi32> to vector<1xi32>
        %squeeze3A = vector.extract %slice3A[0] : i32 from vector<1xi32>
        %mul3A_59 = arith.constant 0 : i32
        %mul3A_60 = vector.broadcast %mul3A_59 : i32 to vector<16xi32>
        %mul3A_61 = arith.muli %iota3A, %mul3A_60 : vector<16xi32>
        %add3A_62 = vector.broadcast %squeeze3A : i32 to vector<16xi32>
        %add3A_63 = arith.addi %add3A_62, %mul3A_61 : vector<16xi32>
        %shift_right_logical3A = arith.constant 6 : i32
        %shift_right_logical3A_64 = arith.shrui %sub3A_21, %shift_right_logical3A : i32
        %and3A_65 = arith.constant 1 : i32
        %and3A_66 = arith.andi %shift_right_logical3A_64, %and3A_65 : i32
        %and3A_67 = arith.constant 63 : i32
        %and3A_68 = arith.andi %sub3A_21, %and3A_67 : i32
        %add3A_69 = arith.constant 0 : i32
        %add3A_70 = vector.broadcast %add3A_69 : i32 to vector<16xi32>
        %add3A_71 = arith.addi %iota3A, %add3A_70 : vector<16xi32>
        %gather3A = tpu.vector_load_idx %arg8[%add3A_54, %add3A_71, %add3A_63] : memref<8x64x128xf32, #tpu.memory_space<vmem>>[vector<16xi32>, vector<16xi32>, vector<16xi32>], vector<16xf32>,
        %swap3A = arith.index_cast %and3A_66 : i32 to index
        %swap3A_72 = arith.index_cast %and3A_68 : i32 to index
        %swap3A_73 = arith.constant 0 : index
        %swap3A_74 = tpu.vector_load %arg9[%swap3A, %swap3A_72, %swap3A_73] {strides = array<i32>} : memref<2x64x64xf32, #tpu.memory_space<vmem>>, vector<16xf32>,
        tpu.vector_store %arg9[%swap3A, %swap3A_72, %swap3A_73], %gather3A {strides = array<i32>} : memref<2x64x64xf32, #tpu.memory_space<vmem>>, vector<16xf32>,
        %add3A_75 = arith.constant 16 : i32
        %add3A_76 = vector.broadcast %add3A_75 : i32 to vector<16xi32>
        %add3A_77 = arith.addi %iota3A, %add3A_76 : vector<16xi32>
        %gather3A_78 = tpu.vector_load_idx %arg8[%add3A_54, %add3A_77, %add3A_63] : memref<8x64x128xf32, #tpu.memory_space<vmem>>[vector<16xi32>, vector<16xi32>, vector<16xi32>], vector<16xf32>,
        %swap3A_79 = arith.index_cast %and3A_66 : i32 to index
        %swap3A_80 = arith.index_cast %and3A_68 : i32 to index
        %swap3A_81 = arith.constant 16 : index
        %swap3A_82 = tpu.vector_load %arg9[%swap3A_79, %swap3A_80, %swap3A_81] {strides = array<i32>} : memref<2x64x64xf32, #tpu.memory_space<vmem>>, vector<16xf32>,
        tpu.vector_store %arg9[%swap3A_79, %swap3A_80, %swap3A_81], %gather3A_78 {strides = array<i32>} : memref<2x64x64xf32, #tpu.memory_space<vmem>>, vector<16xf32>,
        %add3A_83 = arith.constant 32 : i32
        %add3A_84 = vector.broadcast %add3A_83 : i32 to vector<16xi32>
        %add3A_85 = arith.addi %iota3A, %add3A_84 : vector<16xi32>
        %gather3A_86 = tpu.vector_load_idx %arg8[%add3A_54, %add3A_85, %add3A_63] : memref<8x64x128xf32, #tpu.memory_space<vmem>>[vector<16xi32>, vector<16xi32>, vector<16xi32>], vector<16xf32>,
        %swap3A_87 = arith.index_cast %and3A_66 : i32 to index
        %swap3A_88 = arith.index_cast %and3A_68 : i32 to index
        %swap3A_89 = arith.constant 32 : index
        %swap3A_90 = tpu.vector_load %arg9[%swap3A_87, %swap3A_88, %swap3A_89] {strides = array<i32>} : memref<2x64x64xf32, #tpu.memory_space<vmem>>, vector<16xf32>,
        tpu.vector_store %arg9[%swap3A_87, %swap3A_88, %swap3A_89], %gather3A_86 {strides = array<i32>} : memref<2x64x64xf32, #tpu.memory_space<vmem>>, vector<16xf32>,
        %add3A_91 = arith.constant 48 : i32
        %add3A_92 = vector.broadcast %add3A_91 : i32 to vector<16xi32>
        %add3A_93 = arith.addi %iota3A, %add3A_92 : vector<16xi32>
        %gather3A_94 = tpu.vector_load_idx %arg8[%add3A_54, %add3A_93, %add3A_63] : memref<8x64x128xf32, #tpu.memory_space<vmem>>[vector<16xi32>, vector<16xi32>, vector<16xi32>], vector<16xf32>,
        %swap3A_95 = arith.index_cast %and3A_66 : i32 to index
        %swap3A_96 = arith.index_cast %and3A_68 : i32 to index
        %swap3A_97 = arith.constant 48 : index
        %swap3A_98 = tpu.vector_load %arg9[%swap3A_95, %swap3A_96, %swap3A_97] {strides = array<i32>} : memref<2x64x64xf32, #tpu.memory_space<vmem>>, vector<16xf32>,
        tpu.vector_store %arg9[%swap3A_95, %swap3A_96, %swap3A_97], %gather3A_94 {strides = array<i32>} : memref<2x64x64xf32, #tpu.memory_space<vmem>>, vector<16xf32>,
        %and3A_99 = arith.constant 63 : i32
        %and3A_100 = arith.andi %sub3A_21, %and3A_99 : i32
        %eq3A_101 = arith.constant 63 : i32
        %eq3A_102 = arith.cmpi eq, %and3A_100, %eq3A_101 : i32
        %convert_element_type3A_103 = arith.extui %eq3A_102 : i1 to i32
        %cond3A_104 = arith.constant 0 : i32
        %cond3A_105 = arith.cmpi ne, %convert_element_type3A_103, %cond3A_104 : i32
        scf.if %cond3A_105 {
          %shift_right_logical3A_106 = arith.constant 6 : i32
          %shift_right_logical3A_107 = arith.shrui %sub3A_21, %shift_right_logical3A_106 : i32
          %and3A_108 = arith.constant 1 : i32
          %and3A_109 = arith.andi %shift_right_logical3A_107, %and3A_108 : i32
          %mul3A_110 = arith.constant 64 : i32
          %mul3A_111 = arith.muli %shift_right_logical3A_107, %mul3A_110 : i32
          %add3A_112 = arith.addi %mul3A_2, %mul3A_111 : i32
          %dma_start3A = arith.constant 0 : i32
          %dma_start3A_113 = arith.constant 0 : i32
          %dma_start3A_114 = tpu.memref_slice %arg9[%and3A_109, %dma_start3A, %dma_start3A_113] : memref<2x64x64xf32, #tpu.memory_space<vmem>> -> memref<1x64x64xf32, #tpu.memory_space<vmem>>
          %dma_start3A_115 = tpu.memref_squeeze %dma_start3A_114 : memref<1x64x64xf32, #tpu.memory_space<vmem>> -> memref<64x64xf32, #tpu.memory_space<vmem>>
          %dma_start3A_116 = arith.constant 0 : i32
          %dma_start3A_117 = tpu.memref_slice %arg5[%add3A_112, %dma_start3A_116] : memref<16384x64xf32, #tpu.memory_space<hbm>> -> memref<64x64xf32, #tpu.memory_space<hbm>>
          %dma_start3A_118 = arith.constant 0 : i32
          %dma_start3A_119 = tpu.memref_slice %arg5[%add3A_112, %dma_start3A_118] : memref<16384x64xf32, #tpu.memory_space<hbm>> -> memref<64x64xf32, #tpu.memory_space<hbm>>
          %dma_start3A_120 = arith.constant 0 : i32
          %dma_start3A_121 = arith.constant 0 : i32
          %dma_start3A_122 = tpu.memref_slice %arg9[%and3A_109, %dma_start3A_120, %dma_start3A_121] : memref<2x64x64xf32, #tpu.memory_space<vmem>> -> memref<1x64x64xf32, #tpu.memory_space<vmem>>
          %dma_start3A_123 = tpu.memref_squeeze %dma_start3A_122 : memref<1x64x64xf32, #tpu.memory_space<vmem>> -> memref<64x64xf32, #tpu.memory_space<vmem>>
          tpu.enqueue_dma source(%dma_start3A_123 : memref<64x64xf32, #tpu.memory_space<vmem>>) target(%dma_start3A_119 : memref<64x64xf32, #tpu.memory_space<hbm>>) target_semaphore(%arg11 : memref<!tpu.dma_semaphore, #tpu.memory_space<semaphore_mem>>)
        } else {
        }
      } else {
      }
      %lt3A = arith.constant 512 : i32
      %lt3A_17 = arith.cmpi slt, %scan3A_14, %lt3A : i32
      %convert_element_type3A_18 = arith.extui %lt3A_17 : i1 to i32
      %cond3A_19 = arith.constant 0 : i32
      %cond3A_20 = arith.cmpi ne, %convert_element_type3A_18, %cond3A_19 : i32
      scf.if %cond3A_20 {
        %get3A = arith.index_cast %scan3A_14 : i32 to index
        %get3A_21 = tpu.vector_load %arg6[%get3A] {strides = array<i32>} : memref<528xi32, #tpu.memory_space<vmem>>, vector<16xi32>,
        %slice3A = vector.extract_strided_slice %get3A_21 {offsets = [0], sizes = [1], strides = [1]} : vector<16xi32> to vector<1xi32>
        %squeeze3A = vector.extract %slice3A[0] : i32 from vector<1xi32>
        %get3A_22 = arith.index_cast %scan3A_14 : i32 to index
        %get3A_23 = tpu.vector_load %arg7[%get3A_22] {strides = array<i32>} : memref<528xi32, #tpu.memory_space<vmem>>, vector<16xi32>,
        %slice3A_24 = vector.extract_strided_slice %get3A_23 {offsets = [0], sizes = [1], strides = [1]} : vector<16xi32> to vector<1xi32>
        %squeeze3A_25 = vector.extract %slice3A_24[0] : i32 from vector<1xi32>
        %shift_right_logical3A = arith.constant 7 : i32
        %shift_right_logical3A_26 = arith.shrui %squeeze3A_25, %shift_right_logical3A : i32
        %mul3A_27 = arith.constant 128 : i32
        %mul3A_28 = arith.muli %shift_right_logical3A_26, %mul3A_27 : i32
        %multiple_of3A = tpu.assume_multiple %mul3A_28, 128 : i32
        %and3A = arith.constant 7 : i32
        %and3A_29 = arith.andi %scan3A_14, %and3A : i32
        %dma_start3A = arith.constant 0 : i32
        %dma_start3A_30 = arith.constant 0 : i32
        %dma_start3A_31 = tpu.memref_slice %arg8[%and3A_29, %dma_start3A, %dma_start3A_30] : memref<8x64x128xf32, #tpu.memory_space<vmem>> -> memref<1x64x128xf32, #tpu.memory_space<vmem>>
        %dma_start3A_32 = tpu.memref_squeeze %dma_start3A_31 : memref<1x64x128xf32, #tpu.memory_space<vmem>> -> memref<64x128xf32, #tpu.memory_space<vmem>>
        %dma_start3A_33 = arith.constant 0 : i32
        %dma_start3A_34 = tpu.memref_slice %arg4[%squeeze3A, %dma_start3A_33, %multiple_of3A] : memref<1000x64x1000xf32, #tpu.memory_space<hbm>> -> memref<1x64x128xf32, #tpu.memory_space<hbm>>
        %dma_start3A_35 = tpu.memref_squeeze %dma_start3A_34 : memref<1x64x128xf32, #tpu.memory_space<hbm>> -> memref<64x128xf32, #tpu.memory_space<hbm>>
        %dma_start3A_36 = arith.constant 0 : i32
        %dma_start3A_37 = arith.constant 0 : i32
        %dma_start3A_38 = tpu.memref_slice %arg8[%and3A_29, %dma_start3A_36, %dma_start3A_37] : memref<8x64x128xf32, #tpu.memory_space<vmem>> -> memref<1x64x128xf32, #tpu.memory_space<vmem>>
        %dma_start3A_39 = tpu.memref_squeeze %dma_start3A_38 : memref<1x64x128xf32, #tpu.memory_space<vmem>> -> memref<64x128xf32, #tpu.memory_space<vmem>>
        %dma_start3A_40 = arith.constant 0 : i32
        %dma_start3A_41 = tpu.memref_slice %arg4[%squeeze3A, %dma_start3A_40, %multiple_of3A] : memref<1000x64x1000xf32, #tpu.memory_space<hbm>> -> memref<1x64x128xf32, #tpu.memory_space<hbm>>
        %dma_start3A_42 = tpu.memref_squeeze %dma_start3A_41 : memref<1x64x128xf32, #tpu.memory_space<hbm>> -> memref<64x128xf32, #tpu.memory_space<hbm>>
        tpu.enqueue_dma source(%dma_start3A_42 : memref<64x128xf32, #tpu.memory_space<hbm>>) target(%dma_start3A_39 : memref<64x128xf32, #tpu.memory_space<vmem>>) target_semaphore(%arg10 : memref<!tpu.dma_semaphore, #tpu.memory_space<semaphore_mem>>)
      } else {
      }
    }
    %scan3A_7 = arith.constant 520 : i32
    %scan3A_8 = arith.constant 0 : i32
    %scan3A_9 = arith.constant 6 : i32
    %scan3A_10 = arith.constant 2 : i32
    %scan3A_11 = arith.addi %scan3A_9, %scan3A_10 : i32
    %scan3A_12 = arith.constant 1 : i32
    scf.for %scan3A_14 = %scan3A_9 to %scan3A_11 step %scan3A_12  : i32 {
      %and3A = arith.constant 1 : i32
      %and3A_15 = arith.andi %scan3A_14, %and3A : i32
      %mul3A_16 = arith.constant 64 : i32
      %mul3A_17 = arith.muli %scan3A_14, %mul3A_16 : i32
      %add3A_18 = arith.addi %mul3A_2, %mul3A_17 : i32
      %dma_wait3A = arith.constant 0 : i32
      %dma_wait3A_19 = arith.constant 0 : i32
      %dma_wait3A_20 = tpu.memref_slice %arg9[%and3A_15, %dma_wait3A, %dma_wait3A_19] : memref<2x64x64xf32, #tpu.memory_space<vmem>> -> memref<1x64x64xf32, #tpu.memory_space<vmem>>
      %dma_wait3A_21 = tpu.memref_squeeze %dma_wait3A_20 : memref<1x64x64xf32, #tpu.memory_space<vmem>> -> memref<64x64xf32, #tpu.memory_space<vmem>>
      %dma_wait3A_22 = arith.constant 0 : i32
      %dma_wait3A_23 = tpu.memref_slice %arg5[%add3A_18, %dma_wait3A_22] : memref<16384x64xf32, #tpu.memory_space<hbm>> -> memref<64x64xf32, #tpu.memory_space<hbm>>
      %dma_wait3A_24 = arith.constant 0 : i32
      %dma_wait3A_25 = tpu.memref_slice %arg5[%add3A_18, %dma_wait3A_24] : memref<16384x64xf32, #tpu.memory_space<hbm>> -> memref<64x64xf32, #tpu.memory_space<hbm>>
      %dma_wait3A_26 = arith.constant 0 : i32
      %dma_wait3A_27 = arith.constant 0 : i32
      %dma_wait3A_28 = tpu.memref_slice %arg9[%and3A_15, %dma_wait3A_26, %dma_wait3A_27] : memref<2x64x64xf32, #tpu.memory_space<vmem>> -> memref<1x64x64xf32, #tpu.memory_space<vmem>>
      %dma_wait3A_29 = tpu.memref_squeeze %dma_wait3A_28 : memref<1x64x64xf32, #tpu.memory_space<vmem>> -> memref<64x64xf32, #tpu.memory_space<vmem>>
      tpu.wait_dma2 semaphore(%arg11 : memref<!tpu.dma_semaphore, #tpu.memory_space<semaphore_mem>>) src(%dma_wait3A_29 : memref<64x64xf32, #tpu.memory_space<vmem>>) dst(%dma_wait3A_25 : memref<64x64xf32, #tpu.memory_space<hbm>>)
    }
    %scan3A_13 = arith.constant 2 : i32
    return
  }
}

</mosaic_0001>

<sc_bundles>
// kernel: kernel.3.cloned.1.call-start
scs
__scs_entry_jumppad:
0x0: {  	(pc) =	sbr.rel $0x88, $3  }
0x1: {  	(tag) =	ssettag $0x0;
	lr =	simm.s32 $0x1  }
0x2: {  	[smem:$0x3F9E] =	sst lr;
	_ =	strace $0xD0000000  }
0x3: {  	_ = 	snop  }
0x4: {  	_ = 	snop  }
0x5: {  	_ = 	snop  }
0x6: {  	_ = 	snop  }
0x7: {  	_ = 	snop  }
__scs_overlays_trampoline_lowered:
0x8: {  	[smem:$0x3FAD] =	sst s0  }
0x9: {  	[smem:$0x3FAE] =	sst s1  }
0xa: {  	[smem:$0x3FAF] =	sst s2  }
0xb: {  	[smem:$0x3FB0] =	sst s3  }
0xc: {  	[smem:$0x3FB1] =	sst s4  }
0xd: {  	[smem:$0x3FB2] =	sst s5  }
0xe: {  	[smem:$0x3FB3] =	sst s6  }
0xf: {  	[smem:$0x3FB4] =	sst s7  }
0x10: {  	[smem:$0x3FB5] =	sst s8  }
0x11: {  	[smem:$0x3FB6] =	sst s9;
	s0 =	simm.s32 @!p0 $0x0  }
0x12: {  	s1 =	sld [smem:$0x3F9C];
	s0 =	simm.s32 @p0 $0x1  }
0x13: {  	[smem:$0x3FB7] =	sst s0;
	s0 =	simm.s32 @!p1 $0x0  }
0x14: {  	s2 =	sld [smem:$0x3F9B];
	s0 =	simm.s32 @p1 $0x1  }
0x15: {  	[smem:$0x3FB8] =	sst s0;
	s0 =	simm.s32 @!p2 $0x0  }
0x16: {  	s3 =	sld [smem:$0x3FDB];
	s0 =	simm.s32 @p2 $0x1  }
0x17: {  	s4 =	simm.s32 $0x1BF5;
	[smem:$0x3FBA] =	sst s0  }
0x18: {  	s0 =	sld [smem:$0x3F9D];
	_ =	swait.ge [sflag:s4], $0x0  }
0x19: {  	s7 =	sld [smem:$0x3F9E]  }
0x1a: {  	s8 =	sadd.s32 $0xFFFFE003, lr  }
0x1b: {  	s9 =	sadd.s32 $0xFFFFFEF7, lr;
	s5 =	simm.s32 $0xFFFFFFFF;
	p2 =	slt.u32 s8, $0xFFFFF086  }
0x1c: {  	p1 =	slt.u32 s9, $0xF7A;
	s5 =	simm.s32 @!p2 $0x0  }
0x1d: {  	s5 =	simm.s32 @p1 $0x1;
	p0 =	seq.s32 s7, s2  }
0x1e: {  	s7 =	smul.u32 @!p0 $0xF7A, s2;
	p2 =	seq.s32 @!p0 s5, $0x0  }
0x1f: {  	s9 =	smul.u32 $0xF7A, s1;
	s8 =	simm.s32 @!p0 $0x1BF5;
	p2 =	por !p2, p0  }
0x20: {  	[sflag:s8] =	ssyncset.s32 @!p0 $0xFFFFF086;
	s6 =	sadd.s32 @!p0 s3, s7;
	s7 =	simm.s32 @!p0 $0x108  }
0x21: {  	s3 =	sadd.s32 s3, s9;
	s6 =	sadd.s32 @!p0 $0x88, s6;
	s7 =	simm.s32 @p2 $0x1082  }
0x22: {  	[simem:s7], [sflag:s8] =	dma.local @!p0 [hbm:s6], $0xF7A  }
0x23: {  	s9 =	sor.u32 $0xD0000000, s2;
	s6 =	simm.s32 $0x108;
	_ =	swait.ge @!p0 [sflag:s8], $0x0  }
0x24: {  	s3 =	sadd.s32 $0x88, s3;
	s6 =	simm.s32 @!p1 $0x1082;
	[sflag:s4] =	ssyncset.s32 $0xFFFFF086  }
0x25: {  	[simem:s6], [sflag:s4] =	dma.local [hbm:s3], $0xF7A  }
0x26: {  	[smem:$0x3F9E] =	sst s1;
	(tag) =	ssettag s2;
	_ =	strace s9  }
0x27: {  	s1 =	sld [smem:$0x3FAE]  }
0x28: {  	s2 =	sld [smem:$0x3FAF]  }
0x29: {  	s4 =	sld [smem:$0x3FB1]  }
0x2a: {  	p0 =	seq.s32 s5, $0x0;
	s5 =	sld [smem:$0x3FB2]  }
0x2b: {  	s6 =	sld [smem:$0x3FB3]  }
0x2c: {  	s7 =	sld [smem:$0x3FB4]  }
0x2d: {  	s3 =	simm.s32 $0x108;
	s8 =	sld [smem:$0x3FB5]  }
0x2e: {  	s3 =	simm.s32 @!p0 $0x1082;
	s9 =	sld [smem:$0x3FB6]  }
0x2f: {  	lr =	sadd.s32 s0, s3;
	s0 =	sld [smem:$0x3FAD]  }
0x30: {  	s3 =	sld [smem:$0x3FB0]  }
0x31: {  	[smem:$0x3FB9] =	sst s10  }
0x32: {  	s10 =	sld [smem:$0x3FB7];
	_ =	sdelay $0x3  }
0x33: {  	p0 =	seq.s32 s10, $0x1;
	s10 =	sld [smem:$0x3FB9];
	_ =	sdelay $0x3  }
0x34: {  	[smem:$0x3FB9] =	sst s10  }
0x35: {  	s10 =	sld [smem:$0x3FB8];
	_ =	sdelay $0x3  }
0x36: {  	p1 =	seq.s32 s10, $0x1;
	s10 =	sld [smem:$0x3FB9];
	_ =	sdelay $0x3  }
0x37: {  	[smem:$0x3FB9] =	sst s10  }
0x38: {  	s10 =	sld [smem:$0x3FBA]  }
0x39: {  	_ = 	snop;
	(pc) =	sbr.ind lr, $3  }
0x3a: {  	_ = 	snop  }
0x3b: {  	_ = 	snop  }
0x3c: {  	p2 =	seq.s32 s10, $0x1;
	s10 =	sld [smem:$0x3FB9]  }
0x3d: {  	_ =	shalt  }
0x3e: {  	_ =	shalt  }
0x3f: {  	_ =	shalt  }
0x40: {  	_ =	shalt  }
0x41: {  	_ =	shalt  }
0x42: {  	_ =	shalt  }
0x43: {  	_ =	shalt  }
0x44: {  	_ =	shalt  }
0x45: {  	_ =	shalt  }
0x46: {  	_ =	shalt  }
0x47: {  	_ =	shalt  }
0x48: {  	_ =	shalt  }
0x49: {  	_ =	shalt  }
0x4a: {  	_ =	shalt  }
0x4b: {  	_ =	shalt  }
0x4c: {  	_ =	shalt  }
0x4d: {  	_ =	shalt  }
0x4e: {  	_ =	shalt  }
0x4f: {  	_ =	shalt  }
0x50: {  	_ =	shalt  }
0x51: {  	_ =	shalt  }
0x52: {  	_ =	shalt  }
0x53: {  	_ =	shalt  }
0x54: {  	_ =	shalt  }
0x55: {  	_ =	shalt  }
0x56: {  	_ =	shalt  }
0x57: {  	_ =	shalt  }
0x58: {  	_ =	shalt  }
0x59: {  	_ =	shalt  }
0x5a: {  	_ =	shalt  }
0x5b: {  	_ =	shalt  }
0x5c: {  	_ =	shalt  }
0x5d: {  	_ =	shalt  }
0x5e: {  	_ =	shalt  }
0x5f: {  	_ =	shalt  }
0x60: {  	_ =	shalt  }
0x61: {  	_ =	shalt  }
0x62: {  	_ =	shalt  }
0x63: {  	_ =	shalt  }
0x64: {  	_ =	shalt  }
0x65: {  	_ =	shalt  }
0x66: {  	_ =	shalt  }
0x67: {  	_ =	shalt  }
0x68: {  	_ =	shalt  }
0x69: {  	_ =	shalt  }
0x6a: {  	_ =	shalt  }
0x6b: {  	_ =	shalt  }
0x6c: {  	_ =	shalt  }
0x6d: {  	_ =	shalt  }
0x6e: {  	_ =	shalt  }
0x6f: {  	_ =	shalt  }
0x70: {  	_ =	shalt  }
0x71: {  	_ =	shalt  }
0x72: {  	_ =	shalt  }
0x73: {  	_ =	shalt  }
0x74: {  	_ =	shalt  }
0x75: {  	_ =	shalt  }
0x76: {  	_ =	shalt  }
0x77: {  	_ =	shalt  }
0x78: {  	_ =	shalt  }
0x79: {  	_ =	shalt  }
0x7a: {  	_ =	shalt  }
0x7b: {  	_ =	shalt  }
0x7c: {  	_ =	shalt  }
0x7d: {  	_ =	shalt  }
0x7e: {  	_ =	shalt  }
0x7f: {  	_ =	shalt  }
0x80: {  	_ =	shalt  }
0x81: {  	_ =	shalt  }
0x82: {  	_ =	shalt  }
0x83: {  	_ =	shalt  }
0x84: {  	_ =	shalt  }
0x85: {  	_ =	shalt  }
0x86: {  	_ =	shalt  }
0x87: {  	_ =	shalt  }
.Lfunc_end0:
.L_simem_size_0:
called_computation_lowered:
.L_overlay_start_0:
0x88: {  	s2 =	sld [smem:$0x3FD9]  }
0x89: {  	s3 =	sld [smem:$0x3FFE];
	_ =	sdelay $0x1  }
0x8a: {  	s1 =	srdreg.scid  }
0x8b: {  	s0 =	sand.u32 $0x1, s1  }
0x8c: {  	s17 =	sshll.u32 s0, $0xA;
	s2 =	sadd.s32 s3, s2  }
0x8d: {  	s2 =	sadd.s32 s2, s17  }
0x8e: {  	[smem:$0x3FC5] =	sst s2  }
0x8f: {  	_ = 	snop  }
0x90: {  	s2 =	sld [smem:$0x3FC9]  }
0x91: {  	s18 =	sld [smem:$0x3FC8]  }
0x92: {  	s4 =	sld [smem:$0x3FC7];
	(tm) =	ssettm $0x1  }
0x93: {  	s5 =	sld [smem:$0x3FFB];
	_ =	sdelay $0x3  }
0x94: {  	_ =	strace s5  }
0x95: {  	s5 =	sld [smem:$0x3FFC];
	_ =	sdelay $0x3  }
0x96: {  	_ =	strace s5  }
0x97: {  	s5 =	sld [smem:$0x3FFD];
	_ =	sdelay $0x3  }
0x98: {  	_ =	strace s5  }
0x99: {  	_ =	strace $0x8FFFFFFF  }
0x9a: {  	s19 =	sld [smem:$0x3FDB];
	_ =	sdelay $0x1  }
0x9b: {  	s6 =	simm.s32 $_scs_section_size  }
0x9c: {  	s7 =	simm.s32 $_size__tile_overlayer_lowered;
	s8 =	simm.s32 $_tile_overlayer_lowered  }
0x9d: {  	s22 =	simm.s32 $0x1BFF;
	s21 =	sshll.u32 s8, $0x1;
	s5 =	sadd.s32 s6, s19  }
0x9e: {  	s9 =	simm.s32 $0x0;
	s20 =	sshll.u32 s7, $0x1;
	s7 =	sadd.s32 s21, s5  }
0x9f: {  	[timem:s9], [sflag:s22] =	dma.local [hbm:s7], s20  }
0xa0: {  	_ =	swait.ge [sflag:s22], s20  }
0xa1: {  	s6 =	ssub.s32 $0x0, s20;
	[sflag:s22] =	ssyncset.done $0x0  }
0xa2: {  	[sflag:s22] =	ssyncadd.s32 s6;
	_ =	sdelay $0x1  }
0xa3: {  	s23 =	simm.s32 $0x1B8B  }
0xa4: {  	_ =	swait.ge [sflag:s23], $0x1  }
0xa5: {  	[sflag:s23] =	ssyncset.done $0x0  }
0xa6: {  	s25 =	simm.s32 $0x1B8E;
	s24 =	sld [smem:$0x3FFE];
	[sflag:s23] =	ssyncadd.s32 $0xFFFFFFFF  }
0xa7: {  	s26 =	simm.s32 $execute0_lowered;
	[smem:$0x3FD2] =	sst s25  }
0xa8: {  	s7 =	sshll.u32 s26, $0x1;
	_ =	strace $0x80000046;
	[dreg:$0x1] =	wrdreg $0xFFFFFFFF  }
0xa9: {  	s28 =	simm.s32 $_size_execute0_lowered;
	s5 =	sadd.s32 s5, s7;
	[dreg:$0x0] =	wrdreg $0x0  }
0xaa: {  	s7 =	sshll.u32 s28, $0x1;
	[dreg:$0x2] =	wrdreg s5  }
0xab: {  	[dreg:$0x3] =	wrdreg s7  }
0xac: {  	[dreg:$0x4] =	wrdreg $0xC0  }
0xad: {  	_ =	task [dreg:s9], $0x5FFFF  }
0xae: {  	[dreg:$0x1] =	wrdreg $0xFFFFFFFF  }
0xaf: {  	[dreg:$0x0] =	wrdreg $0x60  }
0xb0: {  	[dreg:$0x2] =	wrdreg s2  }
0xb1: {  	[dreg:$0x3] =	wrdreg s18  }
0xb2: {  	[dreg:$0x4] =	wrdreg s4  }
0xb3: {  	[dreg:$0x5] =	wrdreg s24  }
0xb4: {  	[dreg:$0x6] =	wrdreg $0x9  }
0xb5: {  	_ =	task.clear_ibuf [dreg:s9], $0x7FFFF;
	_ =	strace $0x90000046  }
0xb6: {  	s29 =	simm.s32 $0x9;
	_ =	strace $0x80000048  }
0xb7: {  	_ =	swait.ge [sflag:s29], $0x1  }
0xb8: {  	[sflag:s29] =	ssyncadd.s32 $0xFFFFFFFF  }
0xb9: {  	_ =	strace $0x90000048  }
0xba: {  	_ =	sfence  }
0xbb: {  	s30 =	sld [smem:$0x0];
	_ =	sdelay $0x2  }
0xbc: {  	s31 =	sshll.u32 s1, $0xD;
	s1 =	sshrl.u32 s1, $0x2  }
0xbd: {  	s3 =	sand.u32 $0x4000, s31;
	s1 =	sadd.s32 s1, s30  }
0xbe: {  	s0 =	sor.u32 s3, s0;
	s1 =	sshll.u32 s1, $0x11  }
0xbf: {  	s0 =	sor.u32 s1, s0  }
0xc0: {  	s0 =	sadd.s32 $0x8F2B, s0  }
0xc1: {  	[sflag:s0] =	ssyncadd.remote.s32 $0x1  }
0xc2: {  	_ =	sfence.sel $0xFFFF  }
0xc3: {  	[dreg:$0x0] =	wrdreg $0xFFFFFFFF;
	(pc) =	sbr.abs _section_cstart, $3  }
0xc4: {  	[dreg:$0x1] =	wrdreg $0xFFFFFFFF  }
0xc5: {  	_ =	task.clear_ibuf [dreg:s9], $0x2FFFF;
	_ =	strace $0x9FFFFFFF  }
0xc6: {  	(tm) =	ssettm $0x7FFFFFFF  }
0xc7: {  	_ =	shalt  }
tec
execute0_lowered:
.L_overlay_start_1:
0x0: {  	(tag) =	ssettag $0x1  }
0x1: {  	s6 =	rddreg [dreg:$0x0]  }
0x2: {  	s7 =	rddreg [dreg:$0x1]  }
0x3: {  	s1 =	rddreg [dreg:$0x2]  }
0x4: {  	s5 =	rddreg [dreg:$0x3]  }
0x5: {  	s0 =	rddreg [dreg:$0x4];
	s4 =	srdreg.scid  }
0x6: {  	s3 =	simm.s32 $0x0;
	s2 =	stileid.u32;
	s11 =	simm.s32 $0x2000  }
0x7: {  	s12 =	simm.s32 $0x2;
	s13 =	simm.s32 $0x0;
	s4 =	sand.u32 $0x1, s4  }
0x8: {  	[smem:$0x7FF] =	sst s3;
	s8 =	sshll.u32 s2, $0xA;
	s9 =	sshll.u32 s4, $0x9  }
0x9: {  	s5 =	sadd.s32 $0x400, s5;
	s10 =	ssub.s32 $0x2, s4;
	s4 =	sor.u32 s9, s8  }
0xa: {  	_ =	strace $0x80000047;
	s31 =	sshrl.u32 s10, $0x1;
	s9 =	sshrl.u32 s4, $0x3  }
0xb: {  	s8 =	ssub.s32 s10, s31;
	s10 =	simm.s32 $0x400;
	s6 =	sadd.s32 s6, s9  }
0xc: {  	s7 =	sadd.s32 s7, s9;
	s8 =	smax.u32 s8, $0x1;
	s9 =	simm.s32 $0x3  }
.LBB2_1:
0xd: {  	[tilespmem:s3], [sflag:$0x3] =	stream.linear.gather [hbm4b:s6+s3], $0x200, $0x38;
	[tilespmem:$0x14500] =	vst v63  }
0xe: {  	_ =	swait.ge [sflag:s9], $0x200  }
0xf: {  	[sflag:s9] =	ssyncset.done $0x0  }
0x10: {  	s14 =	simm.s32 $0x280;
	[sflag:s9] =	ssyncadd.s32 $0xFFFFFE00  }
0x11: {  	[tilespmem:s14], [sflag:$0x3] =	stream.linear.gather [hbm4b:s7+s3], $0x200, $0x38;
	[tilespmem:$0x14500] =	vst v63  }
0x12: {  	_ =	swait.ge [sflag:s9], $0x200  }
0x13: {  	s15 =	simm.s32 $0xFFFFFC00;
	s16 =	simm.s32 $0xFFFFFFF8;
	[sflag:s9] =	ssyncset.done $0x0  }
0x14: {  	s17 =	simm.s32 $0x0;
	s18 =	simm.s32 $0x0;
	[sflag:s9] =	ssyncadd.s32 $0xFFFFFE00  }
.LBB2_2:
0x15: {  	s19 =	sadd.s32 $0x8, s16  }
0x16: {  	p0 =	slt.u32 s19, $0x8  }
0x17: {  	p1 =	slt.u32 @!p0 s19, $0x88  }
0x18: {  	s20 =	sand.u32 @!p0 $0x3F, s16;
	p2 =	por p1, p0  }
0x19: {  	p2 =	sne.s32 @!p2 s20, $0x0  }
0x1a: {  	p1 =	por @!p0 p2, p1  }
0x1b: {  	p1 =	por p1, p0  }
0x1c: {  	s21 =	simm.s32 @!p1 $0x2  }
0x1d: {  	_ =	swait.ge @!p1 [sflag:s21], $0x2000  }
0x1e: {  	[sflag:s21] =	ssyncset.done @!p1 $0x0  }
0x1f: {  	[sflag:s21] =	ssyncadd.s32 @!p1 $0xFFFFE000;
	s21 =	simm.s32 @!p0 $0x1  }
0x20: {  	_ =	swait.ge @!p0 [sflag:s21], $0x2000  }
0x21: {  	[sflag:s21] =	ssyncset.done @!p0 $0x0  }
0x22: {  	[sflag:s21] =	ssyncadd.s32 @!p0 $0xFFFFE000  }
0x23: {  	v0 =	vld @!p0 [tilespmem:s14+$0xFFFFFFF8];
	_ =	sdelay $0x4  }
0x24: {  	(v2sf) =	vpush @!p0 v0, $0x0;
	_ =	sdelay $0xe  }
0x25: {  	s21 =	sand.u32 @!p0 $0x7, s19;
	v0 =	vlaneseq.u32 @!p0;
	s22 =	spop @!p0 (v2sf)  }
0x26: {  	s21 =	sshll.u32 @!p0 s21, $0xD;
	v0 =	vmul.u32 @!p0 $0x80, v0;
	s22 =	sand.u32 @!p0 $0x7F, s22  }
0x27: {  	s21 =	sor.u32 @!p0 s21, s22  }
0x28: {  	v1 =	vor.u32 @!p0 s21, v0;
	_ =	sdelay $0x3  }
0x29: {  	s22 =	simm.s32 @!p0 $0x500  }
0x2a: {  	v2 =	vor.u32 @!p0 $0x800, v0;
	v1 =	vld.idx.msk @!p0 [tilespmem:v1+s22+$0x0], $0xffff  }
0x2b: {  	v2 =	vor.u32 @!p0 s21, v2  }
0x2c: {  	s23 =	sand.u32 @!p0 $0x2000, s15  }
0x2d: {  	s23 =	sor.u32 @!p0 $0x10500, s23;
	s24 =	sshll.u32 @!p0 s20, $0x7  }
0x2e: {  	s24 =	sadd.s32 @!p0 s24, s23  }
0x2f: {  	[tilespmem:s24+$0x0] =	vst @!p0 v1  }
0x30: {  	v1 =	vld.idx.msk @!p0 [tilespmem:v2+s22+$0x0], $0xffff;
	v2 =	vor.u32 @!p0 $0x1000, v0  }
0x31: {  	v2 =	vor.u32 @!p0 s21, v2;
	_ =	sdelay $0x3  }
0x32: {  	[tilespmem:s24+$0x10] =	vst @!p0 v1  }
0x33: {  	v0 =	vor.u32 @!p0 $0x1800, v0;
	v1 =	vld.idx.msk @!p0 [tilespmem:v2+s22+$0x0], $0xffff  }
0x34: {  	v0 =	vor.u32 @!p0 s21, v0;
	_ =	sdelay $0x3  }
0x35: {  	[tilespmem:s24+$0x20] =	vst @!p0 v1  }
0x36: {  	p1 =	sne.s32 @!p0 s20, $0x3F;
	v0 =	vld.idx.msk @!p0 [tilespmem:v0+s22+$0x0], $0xffff  }
0x37: {  	p1 =	por p1, p0  }
0x38: {  	s20 =	sand.u32 @!p1 $0xFFFFFC0, s16  }
0x39: {  	s20 =	sadd.s32 @!p1 s4, s20  }
0x3a: {  	s20 =	sshll.u32 @!p1 s20, $0x4  }
0x3b: {  	s20 =	sadd.s32 @!p1 s5, s20;
	s21 =	simm.s32 @!p1 $0x0;
	[tilespmem:s24+$0x30] =	vst @!p0 v0  }
0x3c: {  	[hbm4b:s20+s21] =	stream.linear.scatter @!p1 [tilespmem:s23], [sflag:$0x2], $0x2000, $0x38;
	[tilespmem:$0x14500] =	vst v63  }
0x3d: {  	p1 =	sgt.u32 @!p0 s19, $0x1FF  }
0x3e: {  	p0 =	por p0, !p1  }
0x3f: {  	v0 =	vld @p0 [tilespmem:s18+$0x0]  }
0x40: {  	v1 =	vld @p0 [tilespmem:s14+$0x0];
	_ =	sdelay $0x3  }
0x41: {  	(v2sf) =	vpush @p0 v0, $0x0  }
0x42: {  	(v2sf) =	vpush @p0 v1, $0x0;
	_ =	sdelay $0xd  }
0x43: {  	s19 =	spop @p0 (v2sf)  }
0x44: {  	s20 =	spop @p0 (v2sf)  }
0x45: {  	s20 =	sshll.u32 @p0 s20, $0x3  }
0x46: {  	s19 =	sshll.u32 @p0 s19, $0x10;
	s20 =	sand.u32 @p0 $0x7FFFFC00, s20  }
0x47: {  	s19 =	sadd.s32 @p0 s19, s20  }
0x48: {  	s20 =	sand.u32 @p0 $0xE000, s17;
	s19 =	sshrl.u32 @p0 s19, $0x3  }
0x49: {  	s16 =	sadd.s32 $0x1, s16;
	s20 =	sor.u32 @p0 $0x500, s20;
	s19 =	sadd.s32 @p0 s1, s19  }
0x4a: {  	[tilespmem:s20], [sflag:$0x1] =	stream.strided.gather @p0 [hbm4b:s19+s10], $0x2000, s11, s10, $0x38;
	[tilespmem:$0x14500] =	vst v63  }
0x4b: {  	p0 =	sne.s32 s16, $0x200  }
.Ltmp0:
0x4c: {  	_ = 	snop;
	(pc) =	sbr.rel @p0 .LBB2_2-.Ltmp0, $3  }
0x4d: {  	_ =	sdelay $0x1  }
0x4e: {  	s15 =	sadd.s32 $0x80, s15  }
0x4f: {  	s18 =	sadd.s32 $0x1, s18;
	s14 =	sadd.s32 $0x1, s14;
	s17 =	sadd.s32 $0x2000, s17  }
0x50: {  	s13 =	sadd.s32 $0x1, s13  }
0x51: {  	_ =	swait.ge [sflag:s12], $0x2000;
	p0 =	sne.s32 s13, s8  }
.Ltmp1:
0x52: {  	[sflag:s12] =	ssyncset.done $0x0;
	(pc) =	sbr.rel @p0 .LBB2_1-.Ltmp1, $4  }
0x53: {  	[sflag:s12] =	ssyncadd.s32 $0xFFFFE000  }
0x54: {  	_ =	swait.ge [sflag:s12], $0x2000  }
0x55: {  	[sflag:s12] =	ssyncset.done $0x0  }
0x56: {  	[sflag:s12] =	ssyncadd.s32 $0xFFFFE000  }
0x57: {  	_ =	sfence.sel $0x180000  }
0x58: {  	[bflag:$0x0] =	sbarrier.arrive $0xFFFF  }
0x59: {  	p0 =	sne.s32 s2, $0x0;
	_ =	strace $0x90000047  }
0x5a: {  	s0 =	sadd.s32 @!p0 $0x100000, s0;
	[bflag:$0x2] =	sbarrier.arrive $0xFFFF  }
0x5b: {  	[sflag:s0] =	ssyncadd.tile.s32 @!p0 $0x1;
	_ =	shalt  }
.Lfunc_end2:
_tile_overlayer_lowered:
.L_overlay_start_2:
0x5c: {  	(tag) =	ssettag $0x2  }
0x5d: {  	s0 =	rddreg [dreg:$0x0];
	s2 =	stileid.u32  }
0x5e: {  	s1 =	rddreg [dreg:$0x1];
	p0 =	sne.s32 s2, $0x0  }
0x5f: {  	s3 =	rddreg [dreg:$0x2];
	[bflag:$0x3] =	sbarrier.arrive $0xFFFF;
	s2 =	simm.s32 @!p0 $0x1C03  }
0x60: {  	[timem:s3], [sflag:s2] =	dma.local @!p0 [hbm:s0], s1  }
0x61: {  	s0 =	simm.s32 @!p0 $0x3  }
0x62: {  	_ =	swait.ge @!p0 [sflag:s0], s1  }
0x63: {  	s1 =	ssub.s32 @!p0 $0x0, s1;
	[sflag:s0] =	ssyncset.done @!p0 $0x0  }
0x64: {  	[sflag:s0] =	ssyncadd.s32 @!p0 s1  }
0x65: {  	[bflag:$0x3] =	sbarrier.arrive $0xFFFF  }
0x66: {  	_ =	shalt  }

</sc_bundles>
